<compile_context>
chip_gen: v7x
topology: tpu7x:2x2x1
jax: 0.10.2.dev20260603
libtpu: 0.0.44.dev20260713+nightly
codegen_flags: <defaults>
</compile_context>

<pallas_src>
import functools

import jax
import jax.numpy as jnp
from jax import lax
from jax.experimental import pallas as pl
from jax.experimental.pallas import tpu as pltpu
from jax.experimental.pallas import tpu_sc as plsc

Q = 512
D = 256
N = 65536
K = 16
BK = 2048
NB = N // BK


def _topk_body(qref, kref, qsqref, ksqref, od_ref, oi_ref,
               rv_ref, ri_ref, s_ref):
    j = pl.program_id(0)

    @pl.when(j == 0)
    def _init():
        rv_ref[...] = jnp.full((Q, K), jnp.inf, dtype=jnp.float32)
        ri_ref[...] = jnp.zeros((Q, K), dtype=jnp.int32)

    q = qref[...]
    kb = kref[...]
    q_sq = qsqref[...]
    k_sq = ksqref[...]
    mm = lax.dot_general(q, kb, (((1,), (1,)), ((), ())),
                         preferred_element_type=jnp.float32)
    d2 = q_sq + k_sq - 2.0 * mm
    dist = jnp.sqrt(jnp.maximum(d2, 1e-12))
    s_ref[...] = dist

    base = j * BK
    iota = lax.broadcasted_iota(jnp.int32, (Q, BK), 1)
    m0 = jnp.min(dist, axis=1, keepdims=True)
    need0 = jnp.any(m0 <= rv_ref[:, K - 1:K])

    def _round(carry):
        _, m = carry
        s = s_ref[...]
        cand = jnp.where(s == m, iota, jnp.int32(BK))
        ix = jnp.min(cand, axis=1, keepdims=True)
        masked = jnp.where(cand == ix, jnp.float32(jnp.inf), s)
        s_ref[...] = masked
        gix = ix + base

        rv = rv_ref[...]
        ri = ri_ref[...]
        keep = rv <= m
        sv = jnp.concatenate(
            [jnp.full((Q, 1), -jnp.inf, jnp.float32), rv[:, :K - 1]], axis=1)
        si = jnp.concatenate(
            [jnp.zeros((Q, 1), jnp.int32), ri[:, :K - 1]], axis=1)
        sk = sv <= m
        new_v = jnp.where(keep, rv, jnp.where(sk, m, sv))
        new_i = jnp.where(keep, ri, jnp.where(sk, gix, si))
        rv_ref[...] = new_v
        ri_ref[...] = new_i

        nm = jnp.min(masked, axis=1, keepdims=True)
        need = jnp.any(nm <= new_v[:, K - 1:K])
        return need, nm

    lax.while_loop(lambda c: c[0], _round, (need0, m0))

    @pl.when(j == NB - 1)
    def _done():
        od_ref[...] = rv_ref[...]
        oi_ref[...] = ri_ref[...]


def _topk_call(queries, keys):
    q_sq = jnp.sum(queries * queries, axis=1, keepdims=True)
    k_sq = jnp.sum(keys * keys, axis=1)[None, :]
    return pl.pallas_call(
        _topk_body,
        grid=(NB,),
        in_specs=[
            pl.BlockSpec((Q, D), lambda j: (0, 0)),
            pl.BlockSpec((BK, D), lambda j: (j, 0)),
            pl.BlockSpec((Q, 1), lambda j: (0, 0)),
            pl.BlockSpec((1, BK), lambda j: (0, j)),
        ],
        out_specs=[
            pl.BlockSpec((Q, K), lambda j: (0, 0)),
            pl.BlockSpec((Q, K), lambda j: (0, 0)),
        ],
        out_shape=[
            jax.ShapeDtypeStruct((Q, K), jnp.float32),
            jax.ShapeDtypeStruct((Q, K), jnp.int32),
        ],
        scratch_shapes=[
            pltpu.VMEM((Q, K), jnp.float32),
            pltpu.VMEM((Q, K), jnp.int32),
            pltpu.VMEM((Q, BK), jnp.float32),
        ],
        compiler_params=pltpu.CompilerParams(
            dimension_semantics=("arbitrary",),
        ),
    )(queries, keys, q_sq, k_sq)


def _make_sc_gather():
    info = plsc.get_sparse_core_info()
    nw = info.num_cores * info.num_subcores
    b_per_w = Q // nw
    mesh = plsc.VectorSubcoreMesh(core_axis_name="c", subcore_axis_name="s")

    @functools.partial(
        pl.kernel,
        mesh=mesh,
        out_type=jax.ShapeDtypeStruct((Q, D), jnp.float32),
        scratch_types=[
            pltpu.VMEM((b_per_w,), jnp.int32),
            pltpu.VMEM((b_per_w, D), jnp.float32),
            pltpu.SemaphoreType.DMA,
        ],
    )
    def _gather(table_hbm, idx_hbm, out_hbm, idx_v, rows_v, sem):
        wid = lax.axis_index("s") * info.num_cores + lax.axis_index("c")
        base = wid * b_per_w
        pltpu.sync_copy(idx_hbm.at[pl.ds(base, b_per_w)], idx_v)
        pltpu.async_copy(table_hbm.at[idx_v], rows_v, sem).wait()
        pltpu.sync_copy(rows_v, out_hbm.at[pl.ds(base, b_per_w)])

    return _gather


def kernel(queries, keys, k):
    del k
    topk_dists, topk_idx = _topk_call(queries, keys)
    nearest = _make_sc_gather()(keys, topk_idx[:, 0])
    return (topk_dists, topk_idx, nearest)

# --- scband reference (transcript-rebuilt; emitter-appended) ---
"""Pipeline reference for scband-dip-deck-module-75892072120840 (READ-ONLY COPY).

The authoritative reference and input builder live on the scoring server;
editing this copy changes nothing except your own understanding.
"""

import jax, jax.numpy as jnp
import numpy as np


def setup_inputs(seed: int = 0) -> dict:
    key = jax.random.key(seed)
    k1, k2 = jax.random.split(key)
    queries = jax.random.normal(k1, (512, 256), dtype=jnp.float32)
    keys = jax.random.normal(k2, (65536, 256), dtype=jnp.float32)
    return {"queries": queries, "keys": keys, "k": 16}


def reference(queries, keys, k):
    # Faithful jax translation of the DipDECK nearest-point retrieval step:
    # cdist(optimal_centers, embedded_data) followed by nearest-point selection
    # (argmin / top-k smallest distances) and a gather of the winning points.
    q_sq = jnp.sum(queries * queries, axis=1, keepdims=True)          # [Q, 1]
    k_sq = jnp.sum(keys * keys, axis=1)[None, :]                       # [1, K]
    dist_sq = q_sq + k_sq - 2.0 * (queries @ keys.T)                   # [Q, K]
    dist = jnp.sqrt(jnp.maximum(dist_sq, 1e-12))                       # euclidean, like scipy cdist
    k_static = 16
    k_zero = (jnp.asarray(k) * 0).astype(dist.dtype)
    neg_vals, topk_idx = jax.lax.top_k(-dist, k_static)                # k smallest distances
    topk_dists = -neg_vals + k_zero                                    # [Q, k]
    # nearest embedded point per center (argmin of cdist), as in
    # _get_nearest_points_to_optimal_centers
    nearest_embedded = jnp.take(keys, topk_idx[:, 0], axis=0)          # [Q, d]
    return (topk_dists, topk_idx, nearest_embedded)

if __name__ == "__main__":
    import jax
    _d = setup_inputs()
    print(jax.jit(kernel)(*tuple(_d.values())))

</pallas_src>

<mosaic_0001>
#map = affine_map<(d0, d1) -> (0, 0)>
#map1 = affine_map<(d0, d1) -> (0)>
module attributes {stable_mosaic.version = 14 : i64} {
  func.func @_gather(%arg0: i32, %arg1: i32, %arg2: memref<65536x256xf32, #tpu.memory_space<hbm>>, %arg3: memref<512xi32, #tpu.memory_space<hbm>>, %arg4: memref<512x256xf32, #tpu.memory_space<hbm>>, %arg5: memref<16xi32, #tpu.memory_space<vmem>>, %arg6: memref<16x256xf32, #tpu.memory_space<vmem>>, %arg7: memref<!tpu.dma_semaphore, #tpu.memory_space<semaphore_mem>>) attributes {dimension_semantics = [#tpu.dimension_semantics<core_parallel>, #tpu.dimension_semantics<subcore_parallel>], iteration_bounds = array<i64: 2, 16>, scalar_prefetch = 0 : i64, scratch_operands = 3 : i64, tpu.core_type = #tpu.core_type<sc_vector_subcore>, window_params = [{transform_indices = #map}, {transform_indices = #map1}, {transform_indices = #map}]} {
    %mul3A = arith.constant 2 : i32
    %mul3A_0 = arith.muli %arg1, %mul3A : i32
    %add3A = arith.addi %mul3A_0, %arg0 : i32
    %mul3A_1 = arith.constant 16 : i32
    %mul3A_2 = arith.muli %add3A, %mul3A_1 : i32
    "tpu.region"() ({
      %run_scoped3A = tpu.sem_alloc : memref<!tpu.dma_semaphore, #tpu.memory_space<semaphore_mem>>
      %dma_start3A_7 = tpu.memref_slice %arg3[%mul3A_2] : memref<512xi32, #tpu.memory_space<hbm>> -> memref<16xi32, #tpu.memory_space<hbm>>
      %dma_start3A_8 = tpu.memref_slice %arg3[%mul3A_2] : memref<512xi32, #tpu.memory_space<hbm>> -> memref<16xi32, #tpu.memory_space<hbm>>
      tpu.enqueue_dma source(%dma_start3A_8 : memref<16xi32, #tpu.memory_space<hbm>>) target(%arg5 : memref<16xi32, #tpu.memory_space<vmem>>) target_semaphore(%run_scoped3A : memref<!tpu.dma_semaphore, #tpu.memory_space<semaphore_mem>>)
      %dma_wait3A_9 = tpu.memref_slice %arg3[%mul3A_2] : memref<512xi32, #tpu.memory_space<hbm>> -> memref<16xi32, #tpu.memory_space<hbm>>
      %dma_wait3A_10 = tpu.memref_slice %arg3[%mul3A_2] : memref<512xi32, #tpu.memory_space<hbm>> -> memref<16xi32, #tpu.memory_space<hbm>>
      tpu.wait_dma2 semaphore(%run_scoped3A : memref<!tpu.dma_semaphore, #tpu.memory_space<semaphore_mem>>) src(%dma_wait3A_10 : memref<16xi32, #tpu.memory_space<hbm>>) dst(%arg5 : memref<16xi32, #tpu.memory_space<vmem>>)
      tpu.yield
    }) : () -> ()
    %dma_start3A = arith.constant 0 : i32
    %dma_start3A_3 = arith.constant 0 : i32
    %dma_start3A_4 = tpu.memref_slice %arg2[%dma_start3A, %dma_start3A_3] : memref<65536x256xf32, #tpu.memory_space<hbm>> -> memref<65536x256xf32, #tpu.memory_space<hbm>>
    tpu.enqueue_indirect_dma source(%dma_start3A_4 : memref<65536x256xf32, #tpu.memory_space<hbm>>) target(%arg6 : memref<16x256xf32, #tpu.memory_space<vmem>>) offsets(%arg5 : memref<16xi32, #tpu.memory_space<vmem>>) semaphore(%arg7 : memref<!tpu.dma_semaphore, #tpu.memory_space<semaphore_mem>>)
    %dma_wait3A = arith.constant 0 : i32
    %dma_wait3A_5 = arith.constant 0 : i32
    %dma_wait3A_6 = tpu.memref_slice %arg2[%dma_wait3A, %dma_wait3A_5] : memref<65536x256xf32, #tpu.memory_space<hbm>> -> memref<65536x256xf32, #tpu.memory_space<hbm>>
    tpu.wait_indirect_dma semaphore(%arg7 : memref<!tpu.dma_semaphore, #tpu.memory_space<semaphore_mem>>) src(%dma_wait3A_6 : memref<65536x256xf32, #tpu.memory_space<hbm>>) dst(%arg6 : memref<16x256xf32, #tpu.memory_space<vmem>>)
    "tpu.region"() ({
      %run_scoped3A = tpu.sem_alloc : memref<!tpu.dma_semaphore, #tpu.memory_space<semaphore_mem>>
      %dma_start3A_7 = arith.constant 0 : i32
      %dma_start3A_8 = tpu.memref_slice %arg4[%mul3A_2, %dma_start3A_7] : memref<512x256xf32, #tpu.memory_space<hbm>> -> memref<16x256xf32, #tpu.memory_space<hbm>>
      %dma_start3A_9 = arith.constant 0 : i32
      %dma_start3A_10 = tpu.memref_slice %arg4[%mul3A_2, %dma_start3A_9] : memref<512x256xf32, #tpu.memory_space<hbm>> -> memref<16x256xf32, #tpu.memory_space<hbm>>
      tpu.enqueue_dma source(%arg6 : memref<16x256xf32, #tpu.memory_space<vmem>>) target(%dma_start3A_10 : memref<16x256xf32, #tpu.memory_space<hbm>>) target_semaphore(%run_scoped3A : memref<!tpu.dma_semaphore, #tpu.memory_space<semaphore_mem>>)
      %dma_wait3A_11 = arith.constant 0 : i32
      %dma_wait3A_12 = tpu.memref_slice %arg4[%mul3A_2, %dma_wait3A_11] : memref<512x256xf32, #tpu.memory_space<hbm>> -> memref<16x256xf32, #tpu.memory_space<hbm>>
      %dma_wait3A_13 = arith.constant 0 : i32
      %dma_wait3A_14 = tpu.memref_slice %arg4[%mul3A_2, %dma_wait3A_13] : memref<512x256xf32, #tpu.memory_space<hbm>> -> memref<16x256xf32, #tpu.memory_space<hbm>>
      tpu.wait_dma2 semaphore(%run_scoped3A : memref<!tpu.dma_semaphore, #tpu.memory_space<semaphore_mem>>) src(%arg6 : memref<16x256xf32, #tpu.memory_space<vmem>>) dst(%dma_wait3A_14 : memref<16x256xf32, #tpu.memory_space<hbm>>)
      tpu.yield
    }) : () -> ()
    return
  }
}

module attributes {stable_mosaic.version = 14 : i64} {
  func.func @_topk_body(%arg0: i32, %arg1: memref<512x256xf32, #tpu.memory_space<vmem>>, %arg2: memref<2048x256xf32, #tpu.memory_space<vmem>>, %arg3: memref<512x1xf32, #tpu.memory_space<vmem>>, %arg4: memref<1x2048xf32, #tpu.memory_space<vmem>>, %arg5: memref<512x16xf32, #tpu.memory_space<vmem>>, %arg6: memref<512x16xi32, #tpu.memory_space<vmem>>, %arg7: memref<512x16xf32, #tpu.memory_space<vmem>>, %arg8: memref<512x16xi32, #tpu.memory_space<vmem>>, %arg9: memref<512x2048xf32, #tpu.memory_space<vmem>>) attributes {dimension_semantics = [#tpu.dimension_semantics<arbitrary>], iteration_bounds = array<i64: 32>, scalar_prefetch = 0 : i64, scratch_operands = 3 : i64, tpu.core_type = #tpu.core_type<tc>, window_params = [{pipeline_mode = #tpu.pipeline_mode<synchronous>, transform_indices = @transform_0, window_bounds = array<i64: 512, 256>}, {transform_indices = @transform_1, window_bounds = array<i64: 2048, 256>}, {pipeline_mode = #tpu.pipeline_mode<synchronous>, transform_indices = @transform_2, window_bounds = array<i64: 512, 1>}, {transform_indices = @transform_3, window_bounds = array<i64: 1, 2048>}, {pipeline_mode = #tpu.pipeline_mode<synchronous>, transform_indices = @transform_4, window_bounds = array<i64: 512, 16>}, {pipeline_mode = #tpu.pipeline_mode<synchronous>, transform_indices = @transform_5, window_bounds = array<i64: 512, 16>}]} {
    %eq3A = arith.constant 0 : i32
    %eq3A_0 = arith.cmpi eq, %arg0, %eq3A : i32
    %convert_element_type3A = arith.extui %eq3A_0 : i1 to i32
    %cond3A = arith.constant 0 : i32
    %cond3A_1 = arith.cmpi ne, %convert_element_type3A, %cond3A : i32
    scf.if %cond3A_1 {
      %broadcast_in_dim3A_44 = arith.constant 0x7F800000 : f32
      %broadcast_in_dim3A_45 = vector.broadcast %broadcast_in_dim3A_44 : f32 to vector<512x16xf32>
      %swap3A_46 = arith.constant 0 : index
      %swap3A_47 = arith.constant 0 : index
      %swap3A_48 = vector.load %arg7[%swap3A_46, %swap3A_47] : memref<512x16xf32, #tpu.memory_space<vmem>>, vector<512x16xf32>
      tpu.vector_store %arg7[%swap3A_46, %swap3A_47], %broadcast_in_dim3A_45 {strides = array<i32>} : memref<512x16xf32, #tpu.memory_space<vmem>>, vector<512x16xf32>,
      %broadcast_in_dim3A_49 = arith.constant 0 : i32
      %broadcast_in_dim3A_50 = vector.broadcast %broadcast_in_dim3A_49 : i32 to vector<512x16xi32>
      %swap3A_51 = arith.constant 0 : index
      %swap3A_52 = arith.constant 0 : index
      %swap3A_53 = vector.load %arg8[%swap3A_51, %swap3A_52] : memref<512x16xi32, #tpu.memory_space<vmem>>, vector<512x16xi32>
      tpu.vector_store %arg8[%swap3A_51, %swap3A_52], %broadcast_in_dim3A_50 {strides = array<i32>} : memref<512x16xi32, #tpu.memory_space<vmem>>, vector<512x16xi32>,
    } else {
    }
    %get3A = arith.constant 0 : index
    %get3A_2 = arith.constant 0 : index
    %get3A_3 = vector.load %arg1[%get3A, %get3A_2] : memref<512x256xf32, #tpu.memory_space<vmem>>, vector<512x256xf32>
    %get3A_4 = arith.constant 0 : index
    %get3A_5 = arith.constant 0 : index
    %get3A_6 = vector.load %arg2[%get3A_4, %get3A_5] : memref<2048x256xf32, #tpu.memory_space<vmem>>, vector<2048x256xf32>
    %get3A_7 = arith.constant 0 : index
    %get3A_8 = arith.constant 0 : index
    %get3A_9 = vector.load %arg3[%get3A_7, %get3A_8] : memref<512x1xf32, #tpu.memory_space<vmem>>, vector<512x1xf32>
    %get3A_10 = arith.constant 0 : index
    %get3A_11 = arith.constant 0 : index
    %get3A_12 = vector.load %arg4[%get3A_10, %get3A_11] : memref<1x2048xf32, #tpu.memory_space<vmem>>, vector<1x2048xf32>
    %dot_general3A = arith.constant dense<0.000000e+00> : vector<512x2048xf32>
    %dot_general3A_13 = tpu.matmul %get3A_3, %get3A_6, %dot_general3A {dimension_numbers = #tpu.dot_dimension_numbers<[1], [1], [0], [0], [0, 0, 1, 0], [], []>, transpose_lhs_hint = false} : vector<512x256xf32>, vector<2048x256xf32>, vector<512x2048xf32> -> vector<512x2048xf32>
    %add3A = vector.broadcast %get3A_9 : vector<512x1xf32> to vector<512x2048xf32>
    %add3A_14 = vector.broadcast %get3A_12 : vector<1x2048xf32> to vector<512x2048xf32>
    %add3A_15 = arith.addf %add3A, %add3A_14 : vector<512x2048xf32>
    %mul3A = arith.constant 2.000000e+00 : f32
    %mul3A_16 = vector.broadcast %mul3A : f32 to vector<512x2048xf32>
    %mul3A_17 = arith.mulf %mul3A_16, %dot_general3A_13 : vector<512x2048xf32>
    %sub3A = arith.subf %add3A_15, %mul3A_17 : vector<512x2048xf32>
    %max3A = arith.constant 9.99999996E-13 : f32
    %max3A_18 = vector.broadcast %max3A : f32 to vector<512x2048xf32>
    %max3A_19 = arith.maximumf %sub3A, %max3A_18 : vector<512x2048xf32>
    %sqrt3A = math.sqrt %max3A_19 : vector<512x2048xf32>
    %swap3A = arith.constant 0 : index
    %swap3A_20 = arith.constant 0 : index
    %swap3A_21 = vector.load %arg9[%swap3A, %swap3A_20] : memref<512x2048xf32, #tpu.memory_space<vmem>>, vector<512x2048xf32>
    tpu.vector_store %arg9[%swap3A, %swap3A_20], %sqrt3A {strides = array<i32>} : memref<512x2048xf32, #tpu.memory_space<vmem>>, vector<512x2048xf32>,
    %mul3A_22 = arith.constant 2048 : i32
    %mul3A_23 = arith.muli %arg0, %mul3A_22 : i32
    %iota3A = tpu.iota {dimensions = array<i32: 1>} : vector<512x2048xi32>
    %reduce_min3A = arith.constant dense<0x7F800000> : vector<512xf32>
    %reduce_min3A_24 = vector.multi_reduction <minimumf>, %sqrt3A, %reduce_min3A [1] : vector<512x2048xf32> to vector<512xf32>
    %broadcast_in_dim3A = vector.shape_cast %reduce_min3A_24 : vector<512xf32> to vector<512x1xf32>
    %get3A_25 = arith.constant 0 : index
    %get3A_26 = arith.constant 15 : index
    %get3A_27 = vector.load %arg7[%get3A_25, %get3A_26] : memref<512x16xf32, #tpu.memory_space<vmem>>, vector<512x1xf32>
    %le3A = arith.cmpf ole, %broadcast_in_dim3A, %get3A_27 : vector<512x1xf32>
    %reduce_or3A = arith.constant 1.000000e+00 : f32
    %reduce_or3A_28 = arith.constant 0.000000e+00 : f32
    %reduce_or3A_29 = vector.broadcast %reduce_or3A : f32 to vector<512x1xf32>
    %reduce_or3A_30 = vector.broadcast %reduce_or3A_28 : f32 to vector<512x1xf32>
    %reduce_or3A_31 = arith.select %le3A, %reduce_or3A_29, %reduce_or3A_30 : vector<512x1xi1>, vector<512x1xf32>
    %reduce_or3A_32 = vector.shape_cast %reduce_or3A_31 : vector<512x1xf32> to vector<1x512x1xf32>
    %reduce_or3A_33 = arith.constant dense<0xFF800000> : vector<1xf32>
    %reduce_or3A_34 = vector.multi_reduction <maximumf>, %reduce_or3A_32, %reduce_or3A_33 [1, 2] : vector<1x512x1xf32> to vector<1xf32>
    %reduce_or3A_35 = vector.shape_cast %reduce_or3A_34 : vector<1xf32> to vector<1x1x1xf32>
    %reduce_or3A_36 = vector.extract %reduce_or3A_35[0, 0, 0] : f32 from vector<1x1x1xf32>
    %reduce_or3A_37 = arith.constant 0.000000e+00 : f32
    %reduce_or3A_38 = arith.cmpf ogt, %reduce_or3A_36, %reduce_or3A_37 : f32
    %while3A:2 = scf.while (%while3A_44 = %reduce_or3A_38, %while3A_45 = %broadcast_in_dim3A) : (i1, vector<512x1xf32>) -> (i1, vector<512x1xf32>) {
      scf.condition(%while3A_44) %while3A_44, %while3A_45 : i1, vector<512x1xf32>
    } do {
    ^bb0(%while3A_44: i1, %while3A_45: vector<512x1xf32>):
      %get3A_46 = arith.constant 0 : index
      %get3A_47 = arith.constant 0 : index
      %get3A_48 = vector.load %arg9[%get3A_46, %get3A_47] : memref<512x2048xf32, #tpu.memory_space<vmem>>, vector<512x2048xf32>
      %eq3A_49 = vector.broadcast %while3A_45 : vector<512x1xf32> to vector<512x2048xf32>
      %eq3A_50 = arith.cmpf oeq, %get3A_48, %eq3A_49 : vector<512x2048xf32>
      %jit3A = arith.constant 2048 : i32
      %broadcast_in_dim3A_51 = vector.broadcast %jit3A : i32 to vector<512x2048xi32>
      %select_n3A = arith.select %eq3A_50, %iota3A, %broadcast_in_dim3A_51 : vector<512x2048xi1>, vector<512x2048xi32>
      %reduce_min3A_52 = arith.constant dense<2147483647> : vector<512xi32>
      %reduce_min3A_53 = vector.multi_reduction <minsi>, %select_n3A, %reduce_min3A_52 [1] : vector<512x2048xi32> to vector<512xi32>
      %broadcast_in_dim3A_54 = vector.shape_cast %reduce_min3A_53 : vector<512xi32> to vector<512x1xi32>
      %eq3A_55 = vector.broadcast %broadcast_in_dim3A_54 : vector<512x1xi32> to vector<512x2048xi32>
      %eq3A_56 = arith.cmpi eq, %select_n3A, %eq3A_55 : vector<512x2048xi32>
      %jit3A_57 = arith.constant 0x7F800000 : f32
      %broadcast_in_dim3A_58 = vector.broadcast %jit3A_57 : f32 to vector<512x2048xf32>
      %select_n3A_59 = arith.select %eq3A_56, %broadcast_in_dim3A_58, %get3A_48 : vector<512x2048xi1>, vector<512x2048xf32>
      %swap3A_60 = arith.constant 0 : index
      %swap3A_61 = arith.constant 0 : index
      %swap3A_62 = vector.load %arg9[%swap3A_60, %swap3A_61] : memref<512x2048xf32, #tpu.memory_space<vmem>>, vector<512x2048xf32>
      tpu.vector_store %arg9[%swap3A_60, %swap3A_61], %select_n3A_59 {strides = array<i32>} : memref<512x2048xf32, #tpu.memory_space<vmem>>, vector<512x2048xf32>,
      %add3A_63 = vector.broadcast %mul3A_23 : i32 to vector<512x1xi32>
      %add3A_64 = arith.addi %broadcast_in_dim3A_54, %add3A_63 : vector<512x1xi32>
      %get3A_65 = arith.constant 0 : index
      %get3A_66 = arith.constant 0 : index
      %get3A_67 = vector.load %arg7[%get3A_65, %get3A_66] : memref<512x16xf32, #tpu.memory_space<vmem>>, vector<512x16xf32>
      %get3A_68 = arith.constant 0 : index
      %get3A_69 = arith.constant 0 : index
      %get3A_70 = vector.load %arg8[%get3A_68, %get3A_69] : memref<512x16xi32, #tpu.memory_space<vmem>>, vector<512x16xi32>
      %le3A_71 = vector.broadcast %while3A_45 : vector<512x1xf32> to vector<512x16xf32>
      %le3A_72 = arith.cmpf ole, %get3A_67, %le3A_71 : vector<512x16xf32>
      %broadcast_in_dim3A_73 = arith.constant 0xFF800000 : f32
      %broadcast_in_dim3A_74 = vector.broadcast %broadcast_in_dim3A_73 : f32 to vector<512x1xf32>
      %slice3A = vector.extract_strided_slice %get3A_67 {offsets = [0, 0], sizes = [512, 15], strides = [1, 1]} : vector<512x16xf32> to vector<512x15xf32>
      %concatenate3A = tpu.concatenate %broadcast_in_dim3A_74, %slice3A in 1 : vector<512x1xf32>, vector<512x15xf32> -> vector<512x16xf32>
      %broadcast_in_dim3A_75 = arith.constant 0 : i32
      %broadcast_in_dim3A_76 = vector.broadcast %broadcast_in_dim3A_75 : i32 to vector<512x1xi32>
      %slice3A_77 = vector.extract_strided_slice %get3A_70 {offsets = [0, 0], sizes = [512, 15], strides = [1, 1]} : vector<512x16xi32> to vector<512x15xi32>
      %concatenate3A_78 = tpu.concatenate %broadcast_in_dim3A_76, %slice3A_77 in 1 : vector<512x1xi32>, vector<512x15xi32> -> vector<512x16xi32>
      %le3A_79 = vector.broadcast %while3A_45 : vector<512x1xf32> to vector<512x16xf32>
      %le3A_80 = arith.cmpf ole, %concatenate3A, %le3A_79 : vector<512x16xf32>
      %broadcast_in_dim3A_81 = vector.shape_cast %while3A_45 : vector<512x1xf32> to vector<512x1xf32>
      %broadcast_in_dim3A_82 = vector.broadcast %broadcast_in_dim3A_81 : vector<512x1xf32> to vector<512x16xf32>
      %select_n3A_83 = arith.select %le3A_80, %broadcast_in_dim3A_82, %concatenate3A : vector<512x16xi1>, vector<512x16xf32>
      %select_n3A_84 = arith.select %le3A_72, %get3A_67, %select_n3A_83 : vector<512x16xi1>, vector<512x16xf32>
      %broadcast_in_dim3A_85 = vector.shape_cast %add3A_64 : vector<512x1xi32> to vector<512x1xi32>
      %broadcast_in_dim3A_86 = vector.broadcast %broadcast_in_dim3A_85 : vector<512x1xi32> to vector<512x16xi32>
      %select_n3A_87 = arith.select %le3A_80, %broadcast_in_dim3A_86, %concatenate3A_78 : vector<512x16xi1>, vector<512x16xi32>
      %select_n3A_88 = arith.select %le3A_72, %get3A_70, %select_n3A_87 : vector<512x16xi1>, vector<512x16xi32>
      %swap3A_89 = arith.constant 0 : index
      %swap3A_90 = arith.constant 0 : index
      %swap3A_91 = vector.load %arg7[%swap3A_89, %swap3A_90] : memref<512x16xf32, #tpu.memory_space<vmem>>, vector<512x16xf32>
      tpu.vector_store %arg7[%swap3A_89, %swap3A_90], %select_n3A_84 {strides = array<i32>} : memref<512x16xf32, #tpu.memory_space<vmem>>, vector<512x16xf32>,
      %swap3A_92 = arith.constant 0 : index
      %swap3A_93 = arith.constant 0 : index
      %swap3A_94 = vector.load %arg8[%swap3A_92, %swap3A_93] : memref<512x16xi32, #tpu.memory_space<vmem>>, vector<512x16xi32>
      tpu.vector_store %arg8[%swap3A_92, %swap3A_93], %select_n3A_88 {strides = array<i32>} : memref<512x16xi32, #tpu.memory_space<vmem>>, vector<512x16xi32>,
      %reduce_min3A_95 = arith.constant dense<0x7F800000> : vector<512xf32>
      %reduce_min3A_96 = vector.multi_reduction <minimumf>, %select_n3A_59, %reduce_min3A_95 [1] : vector<512x2048xf32> to vector<512xf32>
      %broadcast_in_dim3A_97 = vector.shape_cast %reduce_min3A_96 : vector<512xf32> to vector<512x1xf32>
      %slice3A_98 = vector.extract_strided_slice %select_n3A_84 {offsets = [0, 15], sizes = [512, 1], strides = [1, 1]} : vector<512x16xf32> to vector<512x1xf32>
      %le3A_99 = arith.cmpf ole, %broadcast_in_dim3A_97, %slice3A_98 : vector<512x1xf32>
      %reduce_or3A_100 = arith.constant 1.000000e+00 : f32
      %reduce_or3A_101 = arith.constant 0.000000e+00 : f32
      %reduce_or3A_102 = vector.broadcast %reduce_or3A_100 : f32 to vector<512x1xf32>
      %reduce_or3A_103 = vector.broadcast %reduce_or3A_101 : f32 to vector<512x1xf32>
      %reduce_or3A_104 = arith.select %le3A_99, %reduce_or3A_102, %reduce_or3A_103 : vector<512x1xi1>, vector<512x1xf32>
      %reduce_or3A_105 = vector.shape_cast %reduce_or3A_104 : vector<512x1xf32> to vector<1x512x1xf32>
      %reduce_or3A_106 = arith.constant dense<0xFF800000> : vector<1xf32>
      %reduce_or3A_107 = vector.multi_reduction <maximumf>, %reduce_or3A_105, %reduce_or3A_106 [1, 2] : vector<1x512x1xf32> to vector<1xf32>
      %reduce_or3A_108 = vector.shape_cast %reduce_or3A_107 : vector<1xf32> to vector<1x1x1xf32>
      %reduce_or3A_109 = vector.extract %reduce_or3A_108[0, 0, 0] : f32 from vector<1x1x1xf32>
      %reduce_or3A_110 = arith.constant 0.000000e+00 : f32
      %reduce_or3A_111 = arith.cmpf ogt, %reduce_or3A_109, %reduce_or3A_110 : f32
      scf.yield %reduce_or3A_111, %broadcast_in_dim3A_97 : i1, vector<512x1xf32>
    }
    %eq3A_39 = arith.constant 31 : i32
    %eq3A_40 = arith.cmpi eq, %arg0, %eq3A_39 : i32
    %convert_element_type3A_41 = arith.extui %eq3A_40 : i1 to i32
    %cond3A_42 = arith.constant 0 : i32
    %cond3A_43 = arith.cmpi ne, %convert_element_type3A_41, %cond3A_42 : i32
    scf.if %cond3A_43 {
      %get3A_44 = arith.constant 0 : index
      %get3A_45 = arith.constant 0 : index
      %get3A_46 = vector.load %arg7[%get3A_44, %get3A_45] : memref<512x16xf32, #tpu.memory_space<vmem>>, vector<512x16xf32>
      %swap3A_47 = arith.constant 0 : index
      %swap3A_48 = arith.constant 0 : index
      %swap3A_49 = vector.load %arg5[%swap3A_47, %swap3A_48] : memref<512x16xf32, #tpu.memory_space<vmem>>, vector<512x16xf32>
      tpu.vector_store %arg5[%swap3A_47, %swap3A_48], %get3A_46 {strides = array<i32>} : memref<512x16xf32, #tpu.memory_space<vmem>>, vector<512x16xf32>,
      %get3A_50 = arith.constant 0 : index
      %get3A_51 = arith.constant 0 : index
      %get3A_52 = vector.load %arg8[%get3A_50, %get3A_51] : memref<512x16xi32, #tpu.memory_space<vmem>>, vector<512x16xi32>
      %swap3A_53 = arith.constant 0 : index
      %swap3A_54 = arith.constant 0 : index
      %swap3A_55 = vector.load %arg6[%swap3A_53, %swap3A_54] : memref<512x16xi32, #tpu.memory_space<vmem>>, vector<512x16xi32>
      tpu.vector_store %arg6[%swap3A_53, %swap3A_54], %get3A_52 {strides = array<i32>} : memref<512x16xi32, #tpu.memory_space<vmem>>, vector<512x16xi32>,
    } else {
    }
    return
  }
  func.func @transform_0(%arg0: i32) -> (i32, i32) {
    %c0_i32 = arith.constant 0 : i32
    %c0_i32_0 = arith.constant 0 : i32
    %c0_i32_1 = arith.constant 0 : i32
    return %c0_i32, %c0_i32_0 : i32, i32
  }
  func.func @transform_1(%arg0: i32) -> (i32, i32) {
    %c0_i32 = arith.constant 0 : i32
    %c0_i32_0 = arith.constant 0 : i32
    return %arg0, %c0_i32 : i32, i32
  }
  func.func @transform_2(%arg0: i32) -> (i32, i32) {
    %c0_i32 = arith.constant 0 : i32
    %c0_i32_0 = arith.constant 0 : i32
    %c0_i32_1 = arith.constant 0 : i32
    return %c0_i32, %c0_i32_0 : i32, i32
  }
  func.func @transform_3(%arg0: i32) -> (i32, i32) {
    %c0_i32 = arith.constant 0 : i32
    %c0_i32_0 = arith.constant 0 : i32
    return %c0_i32, %arg0 : i32, i32
  }
  func.func @transform_4(%arg0: i32) -> (i32, i32) {
    %c0_i32 = arith.constant 0 : i32
    %c0_i32_0 = arith.constant 0 : i32
    %c0_i32_1 = arith.constant 0 : i32
    return %c0_i32, %c0_i32_0 : i32, i32
  }
  func.func @transform_5(%arg0: i32) -> (i32, i32) {
    %c0_i32 = arith.constant 0 : i32
    %c0_i32_0 = arith.constant 0 : i32
    %c0_i32_1 = arith.constant 0 : i32
    return %c0_i32, %c0_i32_0 : i32, i32
  }
}

</mosaic_0001>

<sc_bundles>
// kernel: kernel.4.cloned.1.call-start
scs
__scs_entry_jumppad:
0x0: {  	(pc) =	sbr.rel $0x88, $3  }
0x1: {  	(tag) =	ssettag $0x0;
	lr =	simm.s32 $0x1  }
0x2: {  	[smem:$0x3F9F] =	sst lr;
	_ =	strace $0xD0000000  }
0x3: {  	_ = 	snop  }
0x4: {  	_ = 	snop  }
0x5: {  	_ = 	snop  }
0x6: {  	_ = 	snop  }
0x7: {  	_ = 	snop  }
__scs_overlays_trampoline_lowered:
0x8: {  	[smem:$0x3FAE] =	sst s0  }
0x9: {  	[smem:$0x3FAF] =	sst s1  }
0xa: {  	[smem:$0x3FB0] =	sst s2  }
0xb: {  	[smem:$0x3FB1] =	sst s3  }
0xc: {  	[smem:$0x3FB2] =	sst s4  }
0xd: {  	[smem:$0x3FB3] =	sst s5  }
0xe: {  	[smem:$0x3FB4] =	sst s6  }
0xf: {  	[smem:$0x3FB5] =	sst s7  }
0x10: {  	[smem:$0x3FB6] =	sst s8  }
0x11: {  	[smem:$0x3FB7] =	sst s9;
	s0 =	simm.s32 @!p0 $0x0  }
0x12: {  	s1 =	sld [smem:$0x3F9D];
	s0 =	simm.s32 @p0 $0x1  }
0x13: {  	[smem:$0x3FB8] =	sst s0;
	s0 =	simm.s32 @!p1 $0x0  }
0x14: {  	s2 =	sld [smem:$0x3F9C];
	s0 =	simm.s32 @p1 $0x1  }
0x15: {  	[smem:$0x3FB9] =	sst s0;
	s0 =	simm.s32 @!p2 $0x0  }
0x16: {  	s3 =	sld [smem:$0x3FDB];
	s0 =	simm.s32 @p2 $0x1  }
0x17: {  	s4 =	simm.s32 $0x1BF5;
	[smem:$0x3FBB] =	sst s0  }
0x18: {  	s0 =	sld [smem:$0x3F9E];
	_ =	swait.ge [sflag:s4], $0x0  }
0x19: {  	s7 =	sld [smem:$0x3F9F]  }
0x1a: {  	s8 =	sadd.s32 $0xFFFFE003, lr  }
0x1b: {  	s9 =	sadd.s32 $0xFFFFFEF7, lr;
	s5 =	simm.s32 $0xFFFFFFFF;
	p2 =	slt.u32 s8, $0xFFFFF086  }
0x1c: {  	p1 =	slt.u32 s9, $0xF7A;
	s5 =	simm.s32 @!p2 $0x0  }
0x1d: {  	s5 =	simm.s32 @p1 $0x1;
	p0 =	seq.s32 s7, s2  }
0x1e: {  	s7 =	smul.u32 @!p0 $0xF7A, s2;
	p2 =	seq.s32 @!p0 s5, $0x0  }
0x1f: {  	s9 =	smul.u32 $0xF7A, s1;
	s8 =	simm.s32 @!p0 $0x1BF5;
	p2 =	por !p2, p0  }
0x20: {  	[sflag:s8] =	ssyncset.s32 @!p0 $0xFFFFF086;
	s6 =	sadd.s32 @!p0 s3, s7;
	s7 =	simm.s32 @!p0 $0x108  }
0x21: {  	s3 =	sadd.s32 s3, s9;
	s6 =	sadd.s32 @!p0 $0x88, s6;
	s7 =	simm.s32 @p2 $0x1082  }
0x22: {  	[simem:s7], [sflag:s8] =	dma.local @!p0 [hbm:s6], $0xF7A  }
0x23: {  	s9 =	sor.u32 $0xD0000000, s2;
	s6 =	simm.s32 $0x108;
	_ =	swait.ge @!p0 [sflag:s8], $0x0  }
0x24: {  	s3 =	sadd.s32 $0x88, s3;
	s6 =	simm.s32 @!p1 $0x1082;
	[sflag:s4] =	ssyncset.s32 $0xFFFFF086  }
0x25: {  	[simem:s6], [sflag:s4] =	dma.local [hbm:s3], $0xF7A  }
0x26: {  	[smem:$0x3F9F] =	sst s1;
	(tag) =	ssettag s2;
	_ =	strace s9  }
0x27: {  	s1 =	sld [smem:$0x3FAF]  }
0x28: {  	s2 =	sld [smem:$0x3FB0]  }
0x29: {  	s4 =	sld [smem:$0x3FB2]  }
0x2a: {  	p0 =	seq.s32 s5, $0x0;
	s5 =	sld [smem:$0x3FB3]  }
0x2b: {  	s6 =	sld [smem:$0x3FB4]  }
0x2c: {  	s7 =	sld [smem:$0x3FB5]  }
0x2d: {  	s3 =	simm.s32 $0x108;
	s8 =	sld [smem:$0x3FB6]  }
0x2e: {  	s3 =	simm.s32 @!p0 $0x1082;
	s9 =	sld [smem:$0x3FB7]  }
0x2f: {  	lr =	sadd.s32 s0, s3;
	s0 =	sld [smem:$0x3FAE]  }
0x30: {  	s3 =	sld [smem:$0x3FB1]  }
0x31: {  	[smem:$0x3FBA] =	sst s10  }
0x32: {  	s10 =	sld [smem:$0x3FB8];
	_ =	sdelay $0x3  }
0x33: {  	p0 =	seq.s32 s10, $0x1;
	s10 =	sld [smem:$0x3FBA];
	_ =	sdelay $0x3  }
0x34: {  	[smem:$0x3FBA] =	sst s10  }
0x35: {  	s10 =	sld [smem:$0x3FB9];
	_ =	sdelay $0x3  }
0x36: {  	p1 =	seq.s32 s10, $0x1;
	s10 =	sld [smem:$0x3FBA];
	_ =	sdelay $0x3  }
0x37: {  	[smem:$0x3FBA] =	sst s10  }
0x38: {  	s10 =	sld [smem:$0x3FBB]  }
0x39: {  	_ = 	snop;
	(pc) =	sbr.ind lr, $3  }
0x3a: {  	_ = 	snop  }
0x3b: {  	_ = 	snop  }
0x3c: {  	p2 =	seq.s32 s10, $0x1;
	s10 =	sld [smem:$0x3FBA]  }
0x3d: {  	_ =	shalt  }
0x3e: {  	_ =	shalt  }
0x3f: {  	_ =	shalt  }
0x40: {  	_ =	shalt  }
0x41: {  	_ =	shalt  }
0x42: {  	_ =	shalt  }
0x43: {  	_ =	shalt  }
0x44: {  	_ =	shalt  }
0x45: {  	_ =	shalt  }
0x46: {  	_ =	shalt  }
0x47: {  	_ =	shalt  }
0x48: {  	_ =	shalt  }
0x49: {  	_ =	shalt  }
0x4a: {  	_ =	shalt  }
0x4b: {  	_ =	shalt  }
0x4c: {  	_ =	shalt  }
0x4d: {  	_ =	shalt  }
0x4e: {  	_ =	shalt  }
0x4f: {  	_ =	shalt  }
0x50: {  	_ =	shalt  }
0x51: {  	_ =	shalt  }
0x52: {  	_ =	shalt  }
0x53: {  	_ =	shalt  }
0x54: {  	_ =	shalt  }
0x55: {  	_ =	shalt  }
0x56: {  	_ =	shalt  }
0x57: {  	_ =	shalt  }
0x58: {  	_ =	shalt  }
0x59: {  	_ =	shalt  }
0x5a: {  	_ =	shalt  }
0x5b: {  	_ =	shalt  }
0x5c: {  	_ =	shalt  }
0x5d: {  	_ =	shalt  }
0x5e: {  	_ =	shalt  }
0x5f: {  	_ =	shalt  }
0x60: {  	_ =	shalt  }
0x61: {  	_ =	shalt  }
0x62: {  	_ =	shalt  }
0x63: {  	_ =	shalt  }
0x64: {  	_ =	shalt  }
0x65: {  	_ =	shalt  }
0x66: {  	_ =	shalt  }
0x67: {  	_ =	shalt  }
0x68: {  	_ =	shalt  }
0x69: {  	_ =	shalt  }
0x6a: {  	_ =	shalt  }
0x6b: {  	_ =	shalt  }
0x6c: {  	_ =	shalt  }
0x6d: {  	_ =	shalt  }
0x6e: {  	_ =	shalt  }
0x6f: {  	_ =	shalt  }
0x70: {  	_ =	shalt  }
0x71: {  	_ =	shalt  }
0x72: {  	_ =	shalt  }
0x73: {  	_ =	shalt  }
0x74: {  	_ =	shalt  }
0x75: {  	_ =	shalt  }
0x76: {  	_ =	shalt  }
0x77: {  	_ =	shalt  }
0x78: {  	_ =	shalt  }
0x79: {  	_ =	shalt  }
0x7a: {  	_ =	shalt  }
0x7b: {  	_ =	shalt  }
0x7c: {  	_ =	shalt  }
0x7d: {  	_ =	shalt  }
0x7e: {  	_ =	shalt  }
0x7f: {  	_ =	shalt  }
0x80: {  	_ =	shalt  }
0x81: {  	_ =	shalt  }
0x82: {  	_ =	shalt  }
0x83: {  	_ =	shalt  }
0x84: {  	_ =	shalt  }
0x85: {  	_ =	shalt  }
0x86: {  	_ =	shalt  }
0x87: {  	_ =	shalt  }
.Lfunc_end0:
.L_simem_size_0:
called_computation_lowered:
.L_overlay_start_0:
0x88: {  	s2 =	sld [smem:$0x3FD9]  }
0x89: {  	s3 =	sld [smem:$0x3FFE];
	_ =	sdelay $0x1  }
0x8a: {  	s1 =	srdreg.scid  }
0x8b: {  	s0 =	sand.u32 $0x1, s1  }
0x8c: {  	s14 =	sshll.u32 s0, $0xA;
	s2 =	sadd.s32 s3, s2  }
0x8d: {  	s2 =	sadd.s32 s2, s14  }
0x8e: {  	[smem:$0x3FC6] =	sst s2  }
0x8f: {  	_ = 	snop  }
0x90: {  	s2 =	sld [smem:$0x3FD0];
	_ =	sdelay $0x2  }
0x91: {  	s4 =	simm.s32 $0xA;
	s5 =	simm.s32 $0x10;
	s15 =	sld [smem:$0x3FC8]  }
0x92: {  	[smem:s5], [sflag:s4] =	dma.local [hbm:s2], $0x1  }
0x93: {  	_ =	swait.eq [sflag:s4], $0x1  }
0x94: {  	[sflag:s4] =	ssyncset.done $0x0  }
0x95: {  	[sflag:s4] =	ssyncadd.s32 $0xFFFFFFFF  }
0x96: {  	s16 =	sld [smem:$0x12];
	(tm) =	ssettm $0x1  }
0x97: {  	s17 =	sld [smem:$0x3FFB];
	_ =	sdelay $0x3  }
0x98: {  	_ =	strace s17  }
0x99: {  	s4 =	sld [smem:$0x3FFC];
	_ =	sdelay $0x3  }
0x9a: {  	_ =	strace s4  }
0x9b: {  	s4 =	sld [smem:$0x3FFD];
	_ =	sdelay $0x3  }
0x9c: {  	_ =	strace s4  }
0x9d: {  	_ =	strace $0x8FFFFFFF  }
0x9e: {  	s18 =	sld [smem:$0x3FDB];
	_ =	sdelay $0x1  }
0x9f: {  	s19 =	simm.s32 $_scs_section_size  }
0xa0: {  	s6 =	simm.s32 $_size__tile_overlayer_lowered;
	s7 =	simm.s32 $_tile_overlayer_lowered  }
0xa1: {  	s22 =	simm.s32 $0x1BFF;
	s21 =	sshll.u32 s7, $0x1;
	s4 =	sadd.s32 s19, s18  }
0xa2: {  	s8 =	simm.s32 $0x0;
	s20 =	sshll.u32 s6, $0x1;
	s6 =	sadd.s32 s21, s4  }
0xa3: {  	[timem:s8], [sflag:s22] =	dma.local [hbm:s6], s20  }
0xa4: {  	_ =	swait.ge [sflag:s22], s20  }
0xa5: {  	s5 =	ssub.s32 $0x0, s20;
	[sflag:s22] =	ssyncset.done $0x0  }
0xa6: {  	[sflag:s22] =	ssyncadd.s32 s5;
	_ =	sdelay $0x1  }
0xa7: {  	s23 =	simm.s32 $0x1B8B  }
0xa8: {  	_ =	swait.ge [sflag:s23], $0x1  }
0xa9: {  	[sflag:s23] =	ssyncset.done $0x0  }
0xaa: {  	s25 =	simm.s32 $0x1B8E;
	s24 =	sld [smem:$0x3FFE];
	[sflag:s23] =	ssyncadd.s32 $0xFFFFFFFF  }
0xab: {  	s26 =	simm.s32 $execute0_lowered;
	[smem:$0x3FD2] =	sst s25  }
0xac: {  	s6 =	sshll.u32 s26, $0x1;
	_ =	strace $0x80000046;
	[dreg:$0x1] =	wrdreg $0xFFFFFFFF  }
0xad: {  	s28 =	simm.s32 $_size_execute0_lowered;
	s4 =	sadd.s32 s4, s6;
	[dreg:$0x0] =	wrdreg $0x0  }
0xae: {  	s6 =	sshll.u32 s28, $0x1;
	[dreg:$0x2] =	wrdreg s4  }
0xaf: {  	[dreg:$0x3] =	wrdreg s6  }
0xb0: {  	[dreg:$0x4] =	wrdreg $0xC0  }
0xb1: {  	_ =	task [dreg:s8], $0x5FFFF  }
0xb2: {  	[dreg:$0x1] =	wrdreg $0xFFFFFFFF  }
0xb3: {  	[dreg:$0x0] =	wrdreg $0x60  }
0xb4: {  	[dreg:$0x2] =	wrdreg s15  }
0xb5: {  	[dreg:$0x3] =	wrdreg s24  }
0xb6: {  	[dreg:$0x4] =	wrdreg s16  }
0xb7: {  	[dreg:$0x5] =	wrdreg $0x9  }
0xb8: {  	_ =	task.clear_ibuf [dreg:s8], $0x6FFFF;
	_ =	strace $0x90000046  }
0xb9: {  	s29 =	simm.s32 $0x9;
	_ =	strace $0x80000048  }
0xba: {  	_ =	swait.ge [sflag:s29], $0x1  }
0xbb: {  	[sflag:s29] =	ssyncadd.s32 $0xFFFFFFFF  }
0xbc: {  	_ =	strace $0x90000048  }
0xbd: {  	_ =	sfence  }
0xbe: {  	s30 =	sld [smem:$0x0];
	_ =	sdelay $0x2  }
0xbf: {  	s31 =	sshll.u32 s1, $0xD;
	s1 =	sshrl.u32 s1, $0x2  }
0xc0: {  	s3 =	sand.u32 $0x4000, s31;
	s1 =	sadd.s32 s1, s30  }
0xc1: {  	s0 =	sor.u32 s3, s0;
	s1 =	sshll.u32 s1, $0x11  }
0xc2: {  	s0 =	sor.u32 s1, s0  }
0xc3: {  	s0 =	sadd.s32 $0x8F2B, s0  }
0xc4: {  	[sflag:s0] =	ssyncadd.remote.s32 $0x1  }
0xc5: {  	_ =	sfence.sel $0xFFFF  }
0xc6: {  	[dreg:$0x0] =	wrdreg $0xFFFFFFFF;
	(pc) =	sbr.abs _section_cstart, $3  }
0xc7: {  	[dreg:$0x1] =	wrdreg $0xFFFFFFFF  }
0xc8: {  	_ =	task.clear_ibuf [dreg:s8], $0x2FFFF;
	_ =	strace $0x9FFFFFFF  }
0xc9: {  	(tm) =	ssettm $0x7FFFFFFF  }
tec
execute0_lowered:
.L_overlay_start_1:
0x0: {  	(tag) =	ssettag $0x1  }
0x1: {  	s1 =	rddreg [dreg:$0x0];
	s2 =	srdreg.scid  }
0x2: {  	s4 =	rddreg [dreg:$0x1];
	s0 =	stileid.u32;
	s7 =	sand.u32 $0x1, s2  }
0x3: {  	s9 =	rddreg [dreg:$0x2];
	s5 =	sshll.u32 s0, $0x5;
	s6 =	sshll.u32 s7, $0x4  }
0x4: {  	s3 =	simm.s32 $0x0;
	s2 =	rddreg [dreg:$0x3];
	s10 =	sor.u32 s6, s5  }
0x5: {  	[smem:$0x7FF] =	sst s3;
	s5 =	sshrl.u32 s10, $0x3  }
0x6: {  	_ =	strace $0x80000047;
	s5 =	sadd.s32 s4, s5;
	s4 =	simm.s32 $0x2  }
0x7: {  	[tilespmem:s3], [sflag:$0x2] =	stream.linear.gather [hbm4b:s5+s3], $0x10, $0x38;
	[tilespmem:$0x1080] =	vst v63  }
0x8: {  	_ =	swait.ge [sflag:s4], $0x10  }
0x9: {  	[sflag:s4] =	ssyncset.done $0x0  }
0xa: {  	[sflag:s4] =	ssyncadd.s32 $0xFFFFFFF0  }
0xb: {  	v0 =	vld [tilespmem:$0x0];
	_ =	sdelay $0x4  }
0xc: {  	v1 =	vshll.u32 v0, $0x1  }
0xd: {  	v2 =	vlaneseq.u32;
	v3 =	vand.u32 $0x7, v0;
	v1 =	vand.u32 $0xFFFFFFF0, v1  }
0xe: {  	v4 =	vshrl.u32 v2, $0x3;
	v0 =	vand.u32 $0x7, v2;
	v3 =	vor.u32 v3, v1  }
0xf: {  	v1 =	vmul.u32 $0x8, v4;
	v63 =	vperm.xlane v3, v0  }
0x10: {  	v2 =	vor.u32 $0x8, v2  }
0x11: {  	v3 =	vperm.xlane v3, v2;
	v4 =	vadd.s32 v1, v63;
	_ =	sdelay $0x1  }
0x12: {  	s11 =	ssub.s32 $0x2, s7;
	v3 =	vadd.s32 v1, v3  }
0x13: {  	s12 =	sshrl.u32 s11, $0x1  }
0x14: {  	vm0 =	vmmov $0xffff;
	s6 =	simm.s32 $0x80;
	s11 =	ssub.s32 s11, s12  }
0x15: {  	[tilespmem:s6], [sflag:$0x1] =	stream.indirect_vreg.gather [hbm4b:s1+s3], $0x80, v4, vm0, $0xb8;
	[tilespmem:$0x1080] =	vst v63  }
0x16: {  	s8 =	simm.s32 $0x1;
	s7 =	simm.s32 $0x880;
	s31 =	smax.u32 s11, $0x1  }
0x17: {  	[tilespmem:s7], [sflag:$0x1] =	stream.indirect_vreg.gather [hbm4b:s1+s3], $0x80, v3, vm0, $0xb8;
	[tilespmem:$0x1080] =	vst v63  }
0x18: {  	p0 =	sne.s32 s31, $0x1;
	_ =	swait.ge [sflag:s8], $0x1000  }
.Ltmp0:
0x19: {  	s10 =	sshll.u32 s10, $0x5;
	[sflag:s8] =	ssyncset.done $0x0;
	(pc) =	sbr.rel @!p0 .LBB2_2-.Ltmp0, $4  }
0x1a: {  	s9 =	sadd.s32 s9, s10;
	[sflag:s8] =	ssyncadd.s32 $0xFFFFF000  }
0x1b: {  	[hbm4b:s9+s3] =	stream.linear.scatter [tilespmem:s6], [sflag:$0x2], $0x1000, $0x38;
	[tilespmem:$0x1080] =	vst v63  }
0x1c: {  	_ =	swait.ge [sflag:s4], $0x1000  }
0x1d: {  	s10 =	sadd.s32 $0xFFFFFFFF, s31;
	[sflag:s4] =	ssyncset.done $0x0  }
.LBB2_1:
0x1e: {  	p0 =	sne.s32 s10, $0x1;
	s10 =	sadd.s32 $0xFFFFFFFF, s10;
	[sflag:s4] =	ssyncadd.s32 $0xFFFFF000  }
0x1f: {  	[tilespmem:s3], [sflag:$0x2] =	stream.linear.gather [hbm4b:s5+s3], $0x10, $0x38;
	[tilespmem:$0x1080] =	vst v63  }
0x20: {  	_ =	swait.ge [sflag:s4], $0x10  }
0x21: {  	[sflag:s4] =	ssyncset.done $0x0  }
0x22: {  	[sflag:s4] =	ssyncadd.s32 $0xFFFFFFF0  }
0x23: {  	v3 =	vld [tilespmem:$0x0];
	_ =	sdelay $0x4  }
0x24: {  	v4 =	vshll.u32 v3, $0x1  }
0x25: {  	v3 =	vand.u32 $0x7, v3;
	v4 =	vand.u32 $0xFFFFFFF0, v4  }
0x26: {  	v3 =	vor.u32 v3, v4  }
0x27: {  	v4 =	vperm.xlane v3, v0;
	v3 =	vperm.xlane v3, v2;
	_ =	sdelay $0x1  }
0x28: {  	v4 =	vadd.s32 v1, v4;
	_ =	sdelay $0x1  }
0x29: {  	v3 =	vadd.s32 v1, v3;
	_ =	sdelay $0x2  }
0x2a: {  	[tilespmem:s6], [sflag:$0x1] =	stream.indirect_vreg.gather [hbm4b:s1+s3], $0x80, v4, vm0, $0xb8;
	[tilespmem:$0x1080] =	vst v63  }
0x2b: {  	_ = 	snop  }
0x2c: {  	[tilespmem:s7], [sflag:$0x1] =	stream.indirect_vreg.gather [hbm4b:s1+s3], $0x80, v3, vm0, $0xb8;
	[tilespmem:$0x1080] =	vst v63  }
0x2d: {  	_ =	swait.ge [sflag:s8], $0x1000  }
.Ltmp1:
0x2e: {  	[sflag:s8] =	ssyncset.done $0x0;
	(pc) =	sbr.rel @p0 .LBB2_1-.Ltmp1, $4  }
0x2f: {  	[sflag:s8] =	ssyncadd.s32 $0xFFFFF000  }
0x30: {  	[hbm4b:s9+s3] =	stream.linear.scatter [tilespmem:s6], [sflag:$0x2], $0x1000, $0x38;
	[tilespmem:$0x1080] =	vst v63  }
0x31: {  	_ =	swait.ge [sflag:s4], $0x1000  }
0x32: {  	[sflag:s4] =	ssyncset.done $0x0  }
.LBB2_2:
0x33: {  	[sflag:s4] =	ssyncadd.s32 $0xFFFFF000  }
0x34: {  	_ =	sfence.sel $0x180000  }
0x35: {  	[bflag:$0x0] =	sbarrier.arrive $0xFFFF  }
0x36: {  	p0 =	sne.s32 s0, $0x0;
	_ =	strace $0x90000047  }
0x37: {  	s0 =	sadd.s32 @!p0 $0x100000, s2;
	[bflag:$0x2] =	sbarrier.arrive $0xFFFF  }
0x38: {  	[sflag:s0] =	ssyncadd.tile.s32 @!p0 $0x1;
	_ =	shalt  }
.Lfunc_end2:
_tile_overlayer_lowered:
.L_overlay_start_2:
0x39: {  	(tag) =	ssettag $0x2  }
0x3a: {  	s0 =	rddreg [dreg:$0x0];
	s2 =	stileid.u32  }
0x3b: {  	s1 =	rddreg [dreg:$0x1];
	p0 =	sne.s32 s2, $0x0  }
0x3c: {  	s3 =	rddreg [dreg:$0x2];
	[bflag:$0x3] =	sbarrier.arrive $0xFFFF;
	s2 =	simm.s32 @!p0 $0x1C02  }
0x3d: {  	[timem:s3], [sflag:s2] =	dma.local @!p0 [hbm:s0], s1  }
0x3e: {  	s0 =	simm.s32 @!p0 $0x2  }
0x3f: {  	_ =	swait.ge @!p0 [sflag:s0], s1  }
0x40: {  	s1 =	ssub.s32 @!p0 $0x0, s1;
	[sflag:s0] =	ssyncset.done @!p0 $0x0  }
0x41: {  	[sflag:s0] =	ssyncadd.s32 @!p0 s1  }
0x42: {  	[bflag:$0x3] =	sbarrier.arrive $0xFFFF  }
0x43: {  	_ =	shalt  }

</sc_bundles>
